<compile_context>
chip_gen: v7x
topology: tpu7x:2x2x1
jax: 0.10.2.dev20260603
libtpu: 0.0.44.dev20260713+nightly
codegen_flags: <defaults>
</compile_context>

<pallas_src>
import functools
import jax
import jax.numpy as jnp
from jax import lax
from jax.experimental import pallas as pl
from jax.experimental.pallas import tpu as pltpu
from jax.experimental.pallas import tpu_sc as plsc

_T = 512
_H = 1024
_I = 2048
_E = 8
_K = 2
_B = 256
_NB = 12
_PMAX = _NB * _B
_IB = 1024
_NI = _I // _IB
_NP = _K * _T

_NC = 2
_NS = 16
_NW = _NC * _NS
_PPW = _NP // _NW
_TPW = _T // _NW



def _route_kernel(logits_ref, meta_ref, dest_ref, wall_ref):
    logits = logits_ref[...]
    m1 = jnp.max(logits, axis=1, keepdims=True)
    eiota = lax.broadcasted_iota(jnp.int32, (_T, _E), 1)
    nE = jnp.int32(_E)
    i1 = jnp.min(jnp.where(logits == m1, eiota, nE), axis=1, keepdims=True)
    masked = jnp.where(eiota == i1, -jnp.inf, logits)
    m2 = jnp.max(masked, axis=1, keepdims=True)
    i2 = jnp.min(jnp.where(masked == m2, eiota, nE), axis=1, keepdims=True)
    p2 = jnp.exp(m2 - m1)
    denom = 1.0 + p2
    w_first = 1.0 / denom
    w_second = p2 / denom

    e_all = jnp.concatenate([i1, i2], axis=0)
    w_all = jnp.concatenate([w_first, w_second], axis=0)

    piota = lax.broadcasted_iota(jnp.int32, (_NP, _E), 1)
    M = (e_all == piota).astype(jnp.float32)

    r0 = lax.broadcasted_iota(jnp.int32, (_NP, _NP), 0)
    r1 = lax.broadcasted_iota(jnp.int32, (_NP, _NP), 1)
    L = (r1 < r0).astype(jnp.float32)
    dn = (((1,), (0,)), ((), ()))
    exclcum = lax.dot_general(L, M, dn, preferred_element_type=jnp.float32)

    cnt = jnp.sum(M, axis=0, keepdims=True)
    padded = jnp.ceil(cnt * (1.0 / _B)) * _B
    u0 = lax.broadcasted_iota(jnp.int32, (_E, _E), 0)
    u1 = lax.broadcasted_iota(jnp.int32, (_E, _E), 1)
    U = (u0 < u1).astype(jnp.float32)
    offs = lax.dot_general(padded, U, dn, preferred_element_type=jnp.float32)

    offs_p = jnp.sum(M * offs, axis=1, keepdims=True)
    rank_p = jnp.sum(M * exclcum, axis=1, keepdims=True)
    dest = offs_p + rank_p

    cum = offs + padded
    total = jnp.sum(padded, axis=1, keepdims=True)
    la = jnp.sum((cum < total).astype(jnp.float32), axis=1, keepdims=True)

    bB = lax.broadcasted_iota(jnp.int32, (1, 32), 1).astype(jnp.float32) * _B
    be = jnp.zeros((1, 32), jnp.float32)
    for e in range(_E):
        ce = lax.slice(cum, (0, e), (1, e + 1))
        be = be + (bB >= ce).astype(jnp.float32)
    be = jnp.where(bB < total, be, la)
    nab = total * (1.0 / _B)
    vend = offs + cnt
    vend32 = jnp.zeros((1, 32), jnp.float32)
    lane = lax.broadcasted_iota(jnp.int32, (1, 32), 1)
    for e in range(_E):
        ve = lax.slice(vend, (0, e), (1, e + 1))
        vend32 = vend32 + jnp.where(lane == 16 + e, ve, 0.0)
    meta = jnp.where(lane < _NB, be, jnp.where(lane < 16, nab, vend32))
    meta_ref[...] = meta.astype(jnp.int32)
    dest_ref[...] = dest.astype(jnp.int32)
    wall_ref[...] = w_all


def _route(router_logits):
    return pl.pallas_call(
        _route_kernel,
        in_specs=[pl.BlockSpec((_T, _E), lambda: (0, 0))],
        out_specs=[
            pl.BlockSpec((1, 32), lambda: (0, 0)),
            pl.BlockSpec((_NP, 1), lambda: (0, 0)),
            pl.BlockSpec((_NP, 1), lambda: (0, 0)),
        ],
        out_shape=[
            jax.ShapeDtypeStruct((1, 32), jnp.int32),
            jax.ShapeDtypeStruct((_NP, 1), jnp.int32),
            jax.ShapeDtypeStruct((_NP, 1), jnp.float32),
        ],
    )(router_logits)



@functools.cache
def _make_sc_scatter():
    @functools.partial(
        pl.kernel,
        mesh=plsc.VectorSubcoreMesh(core_axis_name="c", subcore_axis_name="s"),
        out_type=jax.ShapeDtypeStruct((_PMAX, _H), jnp.float32),
        scratch_types=[
            pltpu.VMEM((_PPW,), jnp.int32),
            pltpu.VMEM((_PPW, _H), jnp.float32),
            pltpu.SemaphoreType.DMA,
        ],
    )
    def _sc_scatter(x_hbm, dest_hbm, xs_hbm, idx_v, rows_v, sem):
        wid = lax.axis_index("s") * _NC + lax.axis_index("c")
        base = wid * _PPW
        tok_base = lax.rem(base, _T)
        pltpu.sync_copy(dest_hbm.at[pl.ds(base, _PPW)], idx_v)
        pltpu.sync_copy(x_hbm.at[pl.ds(tok_base, _PPW)], rows_v)
        pltpu.async_copy(rows_v, xs_hbm.at[idx_v], sem).wait()

    return _sc_scatter



def _mlp_kernel(meta_ref, xs_ref, dest_ref, wall_ref,
                w1_ref, w3_ref, w2_ref, out_ref, acc):
    b = pl.program_id(0)
    i = pl.program_id(1)
    nab = meta_ref[0, 12]

    @pl.when((b == 0) & (i == 0))
    def _():
        out_ref[...] = jnp.zeros_like(out_ref)

    @pl.when(b < nab)
    def _():
        xs = xs_ref[...]
        dn = (((1,), (1,)), ((), ()))
        g = lax.dot_general(xs, w1_ref[0], dn,
                            preferred_element_type=jnp.float32)
        u = lax.dot_general(xs, w3_ref[0], dn,
                            preferred_element_type=jnp.float32)
        prod = (g * jax.nn.sigmoid(g)) * u
        y = lax.dot_general(prod, w2_ref[0], dn,
                            preferred_element_type=jnp.float32)

        @pl.when(i == 0)
        def _():
            acc[...] = y

        @pl.when(i == _NI - 1)
        def _():
            yfull = acc[...] + y
            vend = meta_ref[0, 16 + meta_ref[0, b]]
            riota = (lax.broadcasted_iota(jnp.int32, (_B, 1), 0) + b * _B)
            yfull = jnp.where(riota < vend, yfull, 0.0)
            d1 = dest_ref[:_T, :]
            d2 = dest_ref[_T:, :]
            wa1 = wall_ref[:_T, :]
            wa2 = wall_ref[_T:, :]
            q = lax.broadcasted_iota(jnp.int32, (_T, _B), 1) + b * _B
            C = ((q == d1).astype(jnp.float32) * wa1
                 + (q == d2).astype(jnp.float32) * wa2)
            dnc = (((1,), (0,)), ((), ()))
            out_ref[...] += lax.dot_general(
                C, yfull, dnc, preferred_element_type=jnp.float32)


def _mlp(meta, xs_all, dest, wall, W1, W3, W2):
    def w13_map(b, i, m):
        e = m[0, b]
        ii = jnp.where(b < m[0, 12], i, _NI - 1)
        return (e, ii, 0)

    def w2_map(b, i, m):
        e = m[0, b]
        ii = jnp.where(b < m[0, 12], i, _NI - 1)
        return (e, 0, ii)

    grid_spec = pltpu.PrefetchScalarGridSpec(
        num_scalar_prefetch=1,
        grid=(_NB, _NI),
        in_specs=[
            pl.BlockSpec((_B, _H),
                         lambda b, i, m: (jnp.minimum(b, m[0, 12] - 1), 0)),
            pl.BlockSpec((_NP, 1), lambda b, i, m: (0, 0)),
            pl.BlockSpec((_NP, 1), lambda b, i, m: (0, 0)),
            pl.BlockSpec((1, _IB, _H), w13_map),
            pl.BlockSpec((1, _IB, _H), w13_map),
            pl.BlockSpec((1, _H, _IB), w2_map),
        ],
        out_specs=pl.BlockSpec((_T, _H), lambda b, i, m: (0, 0)),
        scratch_shapes=[pltpu.VMEM((_B, _H), jnp.float32)],
    )
    return pl.pallas_call(
        _mlp_kernel,
        grid_spec=grid_spec,
        out_shape=jax.ShapeDtypeStruct((_T, _H), jnp.float32),
        compiler_params=pltpu.CompilerParams(
            dimension_semantics=("arbitrary", "arbitrary"),
        ),
    )(meta, xs_all, dest, wall, W1, W3, W2)



def kernel(hidden_states, router_logits, W1, W3, W2):
    x = hidden_states.reshape(-1, _H)
    meta, dest, wall = _route(router_logits)
    dest1 = dest.reshape(_NP)
    xs_all = _make_sc_scatter()(x, dest1)
    return _mlp(meta, xs_all, dest, wall, W1, W3, W2)

# --- scband reference (transcript-rebuilt; emitter-appended) ---
"""Pipeline reference for scband-ref-gated-mlpfused-mo-e-14809047237035 (READ-ONLY COPY).

The authoritative reference and input builder live on the scoring server;
editing this copy changes nothing except your own understanding.
"""

import jax, jax.numpy as jnp
import numpy as np

NUM_EXPERTS = 8
TOP_K = 2
HIDDEN = 1024
INTER = 2048
TOKENS = 512


def setup_inputs(seed: int = 0) -> dict:
    key = jax.random.key(seed)
    ks = jax.random.split(key, 6)
    hidden_states = jax.random.normal(ks[0], (TOKENS, HIDDEN), dtype=jnp.float32)
    router_logits = jax.random.normal(ks[1], (TOKENS, NUM_EXPERTS), dtype=jnp.float32)
    # Expert weights: GatedMLP per expert: w1 (gate), w3 (up): [inter, hidden]; w2 (down): [hidden, inter]
    W1 = jax.random.normal(ks[2], (NUM_EXPERTS, INTER, HIDDEN), dtype=jnp.float32) * 0.02
    W3 = jax.random.normal(ks[3], (NUM_EXPERTS, INTER, HIDDEN), dtype=jnp.float32) * 0.02
    W2 = jax.random.normal(ks[4], (NUM_EXPERTS, HIDDEN, INTER), dtype=jnp.float32) * 0.02
    return {"hidden_states": hidden_states, "router_logits": router_logits, "W1": W1, "W3": W3, "W2": W2}


def reference(hidden_states, router_logits, W1, W3, W2):
    x = hidden_states.reshape(-1, HIDDEN)
    # Routing method (renormalize-style): top-k over logits, softmax over the selected logits
    topk_vals, selected_experts = jax.lax.top_k(router_logits, TOP_K)  # [T, k]
    routing_weights = jax.nn.softmax(topk_vals, axis=-1)               # [T, k]
    final = jnp.zeros_like(x)
    for e in range(NUM_EXPERTS):
        # per-token combine weight for expert e (0 if not selected) --
        # mathematically identical to the masked gather/scatter in the torch reference
        we = jnp.sum(jnp.where(selected_experts == e, routing_weights, 0.0), axis=-1)  # [T]
        gate = jax.nn.silu(x @ W1[e].T)   # [T, inter]
        up = x @ W3[e].T                  # [T, inter]
        out = (gate * up) @ W2[e].T       # [T, hidden]
        final = final + we[:, None] * out
    return final

if __name__ == "__main__":
    import jax
    _d = setup_inputs()
    print(jax.jit(kernel)(*tuple(_d.values())))

</pallas_src>

<mosaic_0001>
#map = affine_map<(d0, d1) -> (0, 0)>
#map1 = affine_map<(d0, d1) -> (0)>
module attributes {stable_mosaic.version = 14 : i64} {
  func.func @_sc_scatter(%arg0: i32, %arg1: i32, %arg2: memref<512x1024xf32, #tpu.memory_space<hbm>>, %arg3: memref<1024xi32, #tpu.memory_space<hbm>>, %arg4: memref<3072x1024xf32, #tpu.memory_space<hbm>>, %arg5: memref<32xi32, #tpu.memory_space<vmem>>, %arg6: memref<32x1024xf32, #tpu.memory_space<vmem>>, %arg7: memref<!tpu.dma_semaphore, #tpu.memory_space<semaphore_mem>>) attributes {dimension_semantics = [#tpu.dimension_semantics<core_parallel>, #tpu.dimension_semantics<subcore_parallel>], iteration_bounds = array<i64: 2, 16>, scalar_prefetch = 0 : i64, scratch_operands = 3 : i64, tpu.core_type = #tpu.core_type<sc_vector_subcore>, window_params = [{transform_indices = #map}, {transform_indices = #map1}, {transform_indices = #map}]} {
    %mul3A = arith.constant 2 : i32
    %mul3A_0 = arith.muli %arg1, %mul3A : i32
    %add3A = arith.addi %mul3A_0, %arg0 : i32
    %mul3A_1 = arith.constant 32 : i32
    %mul3A_2 = arith.muli %add3A, %mul3A_1 : i32
    %rem3A = arith.constant 512 : i32
    %rem3A_3 = arith.remsi %mul3A_2, %rem3A : i32
    "tpu.region"() ({
      %run_scoped3A = tpu.sem_alloc : memref<!tpu.dma_semaphore, #tpu.memory_space<semaphore_mem>>
      %dma_start3A_8 = tpu.memref_slice %arg3[%mul3A_2] : memref<1024xi32, #tpu.memory_space<hbm>> -> memref<32xi32, #tpu.memory_space<hbm>>
      %dma_start3A_9 = tpu.memref_slice %arg3[%mul3A_2] : memref<1024xi32, #tpu.memory_space<hbm>> -> memref<32xi32, #tpu.memory_space<hbm>>
      tpu.enqueue_dma source(%dma_start3A_9 : memref<32xi32, #tpu.memory_space<hbm>>) target(%arg5 : memref<32xi32, #tpu.memory_space<vmem>>) target_semaphore(%run_scoped3A : memref<!tpu.dma_semaphore, #tpu.memory_space<semaphore_mem>>)
      %dma_wait3A_10 = tpu.memref_slice %arg3[%mul3A_2] : memref<1024xi32, #tpu.memory_space<hbm>> -> memref<32xi32, #tpu.memory_space<hbm>>
      %dma_wait3A_11 = tpu.memref_slice %arg3[%mul3A_2] : memref<1024xi32, #tpu.memory_space<hbm>> -> memref<32xi32, #tpu.memory_space<hbm>>
      tpu.wait_dma2 semaphore(%run_scoped3A : memref<!tpu.dma_semaphore, #tpu.memory_space<semaphore_mem>>) src(%dma_wait3A_11 : memref<32xi32, #tpu.memory_space<hbm>>) dst(%arg5 : memref<32xi32, #tpu.memory_space<vmem>>)
      tpu.yield
    }) : () -> ()
    "tpu.region"() ({
      %run_scoped3A = tpu.sem_alloc : memref<!tpu.dma_semaphore, #tpu.memory_space<semaphore_mem>>
      %dma_start3A_8 = arith.constant 0 : i32
      %dma_start3A_9 = tpu.memref_slice %arg2[%rem3A_3, %dma_start3A_8] : memref<512x1024xf32, #tpu.memory_space<hbm>> -> memref<32x1024xf32, #tpu.memory_space<hbm>>
      %dma_start3A_10 = arith.constant 0 : i32
      %dma_start3A_11 = tpu.memref_slice %arg2[%rem3A_3, %dma_start3A_10] : memref<512x1024xf32, #tpu.memory_space<hbm>> -> memref<32x1024xf32, #tpu.memory_space<hbm>>
      tpu.enqueue_dma source(%dma_start3A_11 : memref<32x1024xf32, #tpu.memory_space<hbm>>) target(%arg6 : memref<32x1024xf32, #tpu.memory_space<vmem>>) target_semaphore(%run_scoped3A : memref<!tpu.dma_semaphore, #tpu.memory_space<semaphore_mem>>)
      %dma_wait3A_12 = arith.constant 0 : i32
      %dma_wait3A_13 = tpu.memref_slice %arg2[%rem3A_3, %dma_wait3A_12] : memref<512x1024xf32, #tpu.memory_space<hbm>> -> memref<32x1024xf32, #tpu.memory_space<hbm>>
      %dma_wait3A_14 = arith.constant 0 : i32
      %dma_wait3A_15 = tpu.memref_slice %arg2[%rem3A_3, %dma_wait3A_14] : memref<512x1024xf32, #tpu.memory_space<hbm>> -> memref<32x1024xf32, #tpu.memory_space<hbm>>
      tpu.wait_dma2 semaphore(%run_scoped3A : memref<!tpu.dma_semaphore, #tpu.memory_space<semaphore_mem>>) src(%dma_wait3A_15 : memref<32x1024xf32, #tpu.memory_space<hbm>>) dst(%arg6 : memref<32x1024xf32, #tpu.memory_space<vmem>>)
      tpu.yield
    }) : () -> ()
    %dma_start3A = arith.constant 0 : i32
    %dma_start3A_4 = arith.constant 0 : i32
    %dma_start3A_5 = tpu.memref_slice %arg4[%dma_start3A, %dma_start3A_4] : memref<3072x1024xf32, #tpu.memory_space<hbm>> -> memref<3072x1024xf32, #tpu.memory_space<hbm>>
    tpu.enqueue_indirect_dma source(%arg6 : memref<32x1024xf32, #tpu.memory_space<vmem>>) target(%dma_start3A_5 : memref<3072x1024xf32, #tpu.memory_space<hbm>>) offsets(%arg5 : memref<32xi32, #tpu.memory_space<vmem>>) semaphore(%arg7 : memref<!tpu.dma_semaphore, #tpu.memory_space<semaphore_mem>>)
    %dma_wait3A = arith.constant 0 : i32
    %dma_wait3A_6 = arith.constant 0 : i32
    %dma_wait3A_7 = tpu.memref_slice %arg4[%dma_wait3A, %dma_wait3A_6] : memref<3072x1024xf32, #tpu.memory_space<hbm>> -> memref<3072x1024xf32, #tpu.memory_space<hbm>>
    tpu.wait_indirect_dma semaphore(%arg7 : memref<!tpu.dma_semaphore, #tpu.memory_space<semaphore_mem>>) src(%arg6 : memref<32x1024xf32, #tpu.memory_space<vmem>>) dst(%dma_wait3A_7 : memref<3072x1024xf32, #tpu.memory_space<hbm>>)
    return
  }
}

module attributes {stable_mosaic.version = 14 : i64} {
  func.func @_mlp_kernel(%arg0: i32, %arg1: i32, %arg2: memref<1x32xi32, #tpu.memory_space<smem>>, %arg3: memref<256x1024xf32, #tpu.memory_space<vmem>>, %arg4: memref<1024x1xi32, #tpu.memory_space<vmem>>, %arg5: memref<1024x1xf32, #tpu.memory_space<vmem>>, %arg6: memref<1x1024x1024xf32, #tpu.memory_space<vmem>>, %arg7: memref<1x1024x1024xf32, #tpu.memory_space<vmem>>, %arg8: memref<1x1024x1024xf32, #tpu.memory_space<vmem>>, %arg9: memref<512x1024xf32, #tpu.memory_space<vmem>>, %arg10: memref<256x1024xf32, #tpu.memory_space<vmem>>) attributes {dimension_semantics = [#tpu.dimension_semantics<arbitrary>, #tpu.dimension_semantics<arbitrary>], iteration_bounds = array<i64: 12, 2>, scalar_prefetch = 1 : i64, scratch_operands = 1 : i64, tpu.core_type = #tpu.core_type<tc>, window_params = [{transform_indices = @transform_0, window_bounds = array<i64: 256, 1024>}, {pipeline_mode = #tpu.pipeline_mode<synchronous>, transform_indices = @transform_1, window_bounds = array<i64: 1024, 1>}, {pipeline_mode = #tpu.pipeline_mode<synchronous>, transform_indices = @transform_2, window_bounds = array<i64: 1024, 1>}, {transform_indices = @transform_3, window_bounds = array<i64: 1, 1024, 1024>}, {transform_indices = @transform_4, window_bounds = array<i64: 1, 1024, 1024>}, {transform_indices = @transform_5, window_bounds = array<i64: 1, 1024, 1024>}, {pipeline_mode = #tpu.pipeline_mode<synchronous>, transform_indices = @transform_6, window_bounds = array<i64: 512, 1024>}]} {
    %get3A = arith.constant 0 : index
    %get3A_0 = arith.constant 12 : index
    %get3A_1 = memref.load %arg2[%get3A, %get3A_0] : memref<1x32xi32, #tpu.memory_space<smem>>
    %eq3A = arith.constant 0 : i32
    %eq3A_2 = arith.cmpi eq, %arg0, %eq3A : i32
    %eq3A_3 = arith.constant 0 : i32
    %eq3A_4 = arith.cmpi eq, %arg1, %eq3A_3 : i32
    %and3A = arith.andi %eq3A_2, %eq3A_4 : i1
    %convert_element_type3A = arith.extui %and3A : i1 to i32
    %cond3A = arith.constant 0 : i32
    %cond3A_5 = arith.cmpi ne, %convert_element_type3A, %cond3A : i32
    scf.if %cond3A_5 {
      %broadcast_in_dim3A = arith.constant 0.000000e+00 : f32
      %broadcast_in_dim3A_9 = vector.broadcast %broadcast_in_dim3A : f32 to vector<512x1024xf32>
      %swap3A = arith.constant 0 : index
      %swap3A_10 = arith.constant 0 : index
      %swap3A_11 = vector.load %arg9[%swap3A, %swap3A_10] : memref<512x1024xf32, #tpu.memory_space<vmem>>, vector<512x1024xf32>
      tpu.vector_store %arg9[%swap3A, %swap3A_10], %broadcast_in_dim3A_9 {strides = array<i32>} : memref<512x1024xf32, #tpu.memory_space<vmem>>, vector<512x1024xf32>,
    } else {
    }
    %lt3A = arith.cmpi slt, %arg0, %get3A_1 : i32
    %convert_element_type3A_6 = arith.extui %lt3A : i1 to i32
    %cond3A_7 = arith.constant 0 : i32
    %cond3A_8 = arith.cmpi ne, %convert_element_type3A_6, %cond3A_7 : i32
    scf.if %cond3A_8 {
      %get3A_9 = arith.constant 0 : index
      %get3A_10 = arith.constant 0 : index
      %get3A_11 = vector.load %arg3[%get3A_9, %get3A_10] : memref<256x1024xf32, #tpu.memory_space<vmem>>, vector<256x1024xf32>
      %get3A_12 = arith.constant 0 : index
      %get3A_13 = arith.constant 0 : index
      %get3A_14 = arith.constant 0 : index
      %get3A_15 = vector.load %arg6[%get3A_12, %get3A_13, %get3A_14] : memref<1x1024x1024xf32, #tpu.memory_space<vmem>>, vector<1x1024x1024xf32>
      %get3A_16 = vector.shape_cast %get3A_15 : vector<1x1024x1024xf32> to vector<1024x1024xf32>
      %dot_general3A = arith.constant dense<0.000000e+00> : vector<256x1024xf32>
      %dot_general3A_17 = tpu.matmul %get3A_11, %get3A_16, %dot_general3A {dimension_numbers = #tpu.dot_dimension_numbers<[1], [1], [0], [0], [0, 0, 1, 0], [], []>, transpose_lhs_hint = false} : vector<256x1024xf32>, vector<1024x1024xf32>, vector<256x1024xf32> -> vector<256x1024xf32>
      %get3A_18 = arith.constant 0 : index
      %get3A_19 = arith.constant 0 : index
      %get3A_20 = arith.constant 0 : index
      %get3A_21 = vector.load %arg7[%get3A_18, %get3A_19, %get3A_20] : memref<1x1024x1024xf32, #tpu.memory_space<vmem>>, vector<1x1024x1024xf32>
      %get3A_22 = vector.shape_cast %get3A_21 : vector<1x1024x1024xf32> to vector<1024x1024xf32>
      %dot_general3A_23 = arith.constant dense<0.000000e+00> : vector<256x1024xf32>
      %dot_general3A_24 = tpu.matmul %get3A_11, %get3A_22, %dot_general3A_23 {dimension_numbers = #tpu.dot_dimension_numbers<[1], [1], [0], [0], [0, 0, 1, 0], [], []>, transpose_lhs_hint = false} : vector<256x1024xf32>, vector<1024x1024xf32>, vector<256x1024xf32> -> vector<256x1024xf32>
      %logistic3A = arith.negf %dot_general3A_17 : vector<256x1024xf32>
      %logistic3A_25 = math.exp %logistic3A : vector<256x1024xf32>
      %logistic3A_26 = arith.constant 1.000000e+00 : f32
      %logistic3A_27 = vector.broadcast %logistic3A_26 : f32 to vector<256x1024xf32>
      %logistic3A_28 = arith.addf %logistic3A_27, %logistic3A_25 : vector<256x1024xf32>
      %logistic3A_29 = arith.divf %logistic3A_27, %logistic3A_28 : vector<256x1024xf32>
      %mul3A = arith.mulf %dot_general3A_17, %logistic3A_29 : vector<256x1024xf32>
      %mul3A_30 = arith.mulf %mul3A, %dot_general3A_24 : vector<256x1024xf32>
      %get3A_31 = arith.constant 0 : index
      %get3A_32 = arith.constant 0 : index
      %get3A_33 = arith.constant 0 : index
      %get3A_34 = vector.load %arg8[%get3A_31, %get3A_32, %get3A_33] : memref<1x1024x1024xf32, #tpu.memory_space<vmem>>, vector<1x1024x1024xf32>
      %get3A_35 = vector.shape_cast %get3A_34 : vector<1x1024x1024xf32> to vector<1024x1024xf32>
      %dot_general3A_36 = arith.constant dense<0.000000e+00> : vector<256x1024xf32>
      %dot_general3A_37 = tpu.matmul %mul3A_30, %get3A_35, %dot_general3A_36 {dimension_numbers = #tpu.dot_dimension_numbers<[1], [1], [0], [0], [0, 0, 1, 0], [], []>, transpose_lhs_hint = false} : vector<256x1024xf32>, vector<1024x1024xf32>, vector<256x1024xf32> -> vector<256x1024xf32>
      %eq3A_38 = arith.constant 0 : i32
      %eq3A_39 = arith.cmpi eq, %arg1, %eq3A_38 : i32
      %convert_element_type3A_40 = arith.extui %eq3A_39 : i1 to i32
      %cond3A_41 = arith.constant 0 : i32
      %cond3A_42 = arith.cmpi ne, %convert_element_type3A_40, %cond3A_41 : i32
      scf.if %cond3A_42 {
        %swap3A = arith.constant 0 : index
        %swap3A_48 = arith.constant 0 : index
        %swap3A_49 = vector.load %arg10[%swap3A, %swap3A_48] : memref<256x1024xf32, #tpu.memory_space<vmem>>, vector<256x1024xf32>
        tpu.vector_store %arg10[%swap3A, %swap3A_48], %dot_general3A_37 {strides = array<i32>} : memref<256x1024xf32, #tpu.memory_space<vmem>>, vector<256x1024xf32>,
      } else {
      }
      %eq3A_43 = arith.constant 1 : i32
      %eq3A_44 = arith.cmpi eq, %arg1, %eq3A_43 : i32
      %convert_element_type3A_45 = arith.extui %eq3A_44 : i1 to i32
      %cond3A_46 = arith.constant 0 : i32
      %cond3A_47 = arith.cmpi ne, %convert_element_type3A_45, %cond3A_46 : i32
      scf.if %cond3A_47 {
        %get3A_48 = arith.constant 0 : index
        %get3A_49 = arith.constant 0 : index
        %get3A_50 = vector.load %arg10[%get3A_48, %get3A_49] : memref<256x1024xf32, #tpu.memory_space<vmem>>, vector<256x1024xf32>
        %add3A = arith.addf %get3A_50, %dot_general3A_37 : vector<256x1024xf32>
        %get3A_51 = arith.constant 0 : index
        %get3A_52 = arith.index_cast %arg0 : i32 to index
        %get3A_53 = memref.load %arg2[%get3A_51, %get3A_52] : memref<1x32xi32, #tpu.memory_space<smem>>
        %add3A_54 = arith.constant 16 : i32
        %add3A_55 = arith.addi %add3A_54, %get3A_53 : i32
        %get3A_56 = arith.constant 0 : index
        %get3A_57 = arith.index_cast %add3A_55 : i32 to index
        %get3A_58 = memref.load %arg2[%get3A_56, %get3A_57] : memref<1x32xi32, #tpu.memory_space<smem>>
        %iota3A = tpu.iota {dimensions = array<i32: 0>} : vector<256x1xi32>
        %mul3A_59 = arith.constant 256 : i32
        %mul3A_60 = arith.muli %arg0, %mul3A_59 : i32
        %add3A_61 = vector.broadcast %mul3A_60 : i32 to vector<256x1xi32>
        %add3A_62 = arith.addi %iota3A, %add3A_61 : vector<256x1xi32>
        %lt3A_63 = vector.broadcast %get3A_58 : i32 to vector<256x1xi32>
        %lt3A_64 = arith.cmpi slt, %add3A_62, %lt3A_63 : vector<256x1xi32>
        %jit3A = arith.constant 0.000000e+00 : f32
        %broadcast_in_dim3A = vector.shape_cast %lt3A_64 : vector<256x1xi1> to vector<256x1xi1>
        %broadcast_in_dim3A_65 = vector.broadcast %broadcast_in_dim3A : vector<256x1xi1> to vector<256x1024xi1>
        %broadcast_in_dim3A_66 = vector.broadcast %jit3A : f32 to vector<256x1024xf32>
        %select_n3A = arith.select %broadcast_in_dim3A_65, %add3A, %broadcast_in_dim3A_66 : vector<256x1024xi1>, vector<256x1024xf32>
        %get3A_67 = arith.constant 0 : index
        %get3A_68 = arith.constant 0 : index
        %get3A_69 = vector.load %arg4[%get3A_67, %get3A_68] : memref<1024x1xi32, #tpu.memory_space<vmem>>, vector<512x1xi32>
        %get3A_70 = arith.constant 512 : index
        %get3A_71 = arith.constant 0 : index
        %get3A_72 = vector.load %arg4[%get3A_70, %get3A_71] : memref<1024x1xi32, #tpu.memory_space<vmem>>, vector<512x1xi32>
        %get3A_73 = arith.constant 0 : index
        %get3A_74 = arith.constant 0 : index
        %get3A_75 = vector.load %arg5[%get3A_73, %get3A_74] : memref<1024x1xf32, #tpu.memory_space<vmem>>, vector<512x1xf32>
        %get3A_76 = arith.constant 512 : index
        %get3A_77 = arith.constant 0 : index
        %get3A_78 = vector.load %arg5[%get3A_76, %get3A_77] : memref<1024x1xf32, #tpu.memory_space<vmem>>, vector<512x1xf32>
        %iota3A_79 = tpu.iota {dimensions = array<i32: 1>} : vector<512x256xi32>
        %mul3A_80 = arith.constant 256 : i32
        %mul3A_81 = arith.muli %arg0, %mul3A_80 : i32
        %add3A_82 = vector.broadcast %mul3A_81 : i32 to vector<512x256xi32>
        %add3A_83 = arith.addi %iota3A_79, %add3A_82 : vector<512x256xi32>
        %eq3A_84 = vector.broadcast %get3A_69 : vector<512x1xi32> to vector<512x256xi32>
        %eq3A_85 = arith.cmpi eq, %add3A_83, %eq3A_84 : vector<512x256xi32>
        %convert_element_type3A_86 = arith.extui %eq3A_85 : vector<512x256xi1> to vector<512x256xi32>
        %convert_element_type3A_87 = arith.sitofp %convert_element_type3A_86 : vector<512x256xi32> to vector<512x256xf32>
        %mul3A_88 = vector.broadcast %get3A_75 : vector<512x1xf32> to vector<512x256xf32>
        %mul3A_89 = arith.mulf %convert_element_type3A_87, %mul3A_88 : vector<512x256xf32>
        %eq3A_90 = vector.broadcast %get3A_72 : vector<512x1xi32> to vector<512x256xi32>
        %eq3A_91 = arith.cmpi eq, %add3A_83, %eq3A_90 : vector<512x256xi32>
        %convert_element_type3A_92 = arith.extui %eq3A_91 : vector<512x256xi1> to vector<512x256xi32>
        %convert_element_type3A_93 = arith.sitofp %convert_element_type3A_92 : vector<512x256xi32> to vector<512x256xf32>
        %mul3A_94 = vector.broadcast %get3A_78 : vector<512x1xf32> to vector<512x256xf32>
        %mul3A_95 = arith.mulf %convert_element_type3A_93, %mul3A_94 : vector<512x256xf32>
        %add3A_96 = arith.addf %mul3A_89, %mul3A_95 : vector<512x256xf32>
        %get3A_97 = arith.constant 0 : index
        %get3A_98 = arith.constant 0 : index
        %get3A_99 = vector.load %arg9[%get3A_97, %get3A_98] : memref<512x1024xf32, #tpu.memory_space<vmem>>, vector<512x1024xf32>
        %dot_general3A_100 = arith.constant dense<0.000000e+00> : vector<512x1024xf32>
        %dot_general3A_101 = tpu.matmul %add3A_96, %select_n3A, %dot_general3A_100 {dimension_numbers = #tpu.dot_dimension_numbers<[1], [0], [0], [1], [0, 0, 1, 1], [], []>, transpose_lhs_hint = false} : vector<512x256xf32>, vector<256x1024xf32>, vector<512x1024xf32> -> vector<512x1024xf32>
        %add3A_102 = arith.addf %get3A_99, %dot_general3A_101 : vector<512x1024xf32>
        %swap3A = arith.constant 0 : index
        %swap3A_103 = arith.constant 0 : index
        %swap3A_104 = vector.load %arg9[%swap3A, %swap3A_103] : memref<512x1024xf32, #tpu.memory_space<vmem>>, vector<512x1024xf32>
        tpu.vector_store %arg9[%swap3A, %swap3A_103], %add3A_102 {strides = array<i32>} : memref<512x1024xf32, #tpu.memory_space<vmem>>, vector<512x1024xf32>,
      } else {
      }
    } else {
    }
    return
  }
  func.func @transform_0(%arg0: i32, %arg1: i32, %arg2: memref<1x32xi32, #tpu.memory_space<smem>>) -> (i32, i32) {
    %get3A = arith.constant 0 : index
    %get3A_0 = arith.constant 12 : index
    %get3A_1 = memref.load %arg2[%get3A, %get3A_0] : memref<1x32xi32, #tpu.memory_space<smem>>
    %sub3A = arith.constant 1 : i32
    %sub3A_2 = arith.subi %get3A_1, %sub3A : i32
    %min3A = arith.minsi %arg0, %sub3A_2 : i32
    %c0_i32 = arith.constant 0 : i32
    %c0_i32_3 = arith.constant 0 : i32
    return %min3A, %c0_i32 : i32, i32
  }
  func.func @transform_1(%arg0: i32, %arg1: i32, %arg2: memref<1x32xi32, #tpu.memory_space<smem>>) -> (i32, i32) {
    %c0_i32 = arith.constant 0 : i32
    %c0_i32_0 = arith.constant 0 : i32
    %c0_i32_1 = arith.constant 0 : i32
    return %c0_i32, %c0_i32_0 : i32, i32
  }
  func.func @transform_2(%arg0: i32, %arg1: i32, %arg2: memref<1x32xi32, #tpu.memory_space<smem>>) -> (i32, i32) {
    %c0_i32 = arith.constant 0 : i32
    %c0_i32_0 = arith.constant 0 : i32
    %c0_i32_1 = arith.constant 0 : i32
    return %c0_i32, %c0_i32_0 : i32, i32
  }
  func.func @transform_3(%arg0: i32, %arg1: i32, %arg2: memref<1x32xi32, #tpu.memory_space<smem>>) -> (i32, i32, i32) {
    %get3A = arith.constant 0 : index
    %get3A_0 = arith.index_cast %arg0 : i32 to index
    %get3A_1 = memref.load %arg2[%get3A, %get3A_0] : memref<1x32xi32, #tpu.memory_space<smem>>
    %get3A_2 = arith.constant 0 : index
    %get3A_3 = arith.constant 12 : index
    %get3A_4 = memref.load %arg2[%get3A_2, %get3A_3] : memref<1x32xi32, #tpu.memory_space<smem>>
    %lt3A = arith.cmpi slt, %arg0, %get3A_4 : i32
    %jit3A = arith.constant 1 : i32
    %select_n3A = arith.select %lt3A, %arg1, %jit3A : i32
    %c0_i32 = arith.constant 0 : i32
    %c0_i32_5 = arith.constant 0 : i32
    return %get3A_1, %select_n3A, %c0_i32 : i32, i32, i32
  }
  func.func @transform_4(%arg0: i32, %arg1: i32, %arg2: memref<1x32xi32, #tpu.memory_space<smem>>) -> (i32, i32, i32) {
    %get3A = arith.constant 0 : index
    %get3A_0 = arith.index_cast %arg0 : i32 to index
    %get3A_1 = memref.load %arg2[%get3A, %get3A_0] : memref<1x32xi32, #tpu.memory_space<smem>>
    %get3A_2 = arith.constant 0 : index
    %get3A_3 = arith.constant 12 : index
    %get3A_4 = memref.load %arg2[%get3A_2, %get3A_3] : memref<1x32xi32, #tpu.memory_space<smem>>
    %lt3A = arith.cmpi slt, %arg0, %get3A_4 : i32
    %jit3A = arith.constant 1 : i32
    %select_n3A = arith.select %lt3A, %arg1, %jit3A : i32
    %c0_i32 = arith.constant 0 : i32
    %c0_i32_5 = arith.constant 0 : i32
    return %get3A_1, %select_n3A, %c0_i32 : i32, i32, i32
  }
  func.func @transform_5(%arg0: i32, %arg1: i32, %arg2: memref<1x32xi32, #tpu.memory_space<smem>>) -> (i32, i32, i32) {
    %get3A = arith.constant 0 : index
    %get3A_0 = arith.index_cast %arg0 : i32 to index
    %get3A_1 = memref.load %arg2[%get3A, %get3A_0] : memref<1x32xi32, #tpu.memory_space<smem>>
    %get3A_2 = arith.constant 0 : index
    %get3A_3 = arith.constant 12 : index
    %get3A_4 = memref.load %arg2[%get3A_2, %get3A_3] : memref<1x32xi32, #tpu.memory_space<smem>>
    %lt3A = arith.cmpi slt, %arg0, %get3A_4 : i32
    %jit3A = arith.constant 1 : i32
    %select_n3A = arith.select %lt3A, %arg1, %jit3A : i32
    %c0_i32 = arith.constant 0 : i32
    %c0_i32_5 = arith.constant 0 : i32
    return %get3A_1, %c0_i32, %select_n3A : i32, i32, i32
  }
  func.func @transform_6(%arg0: i32, %arg1: i32, %arg2: memref<1x32xi32, #tpu.memory_space<smem>>) -> (i32, i32) {
    %c0_i32 = arith.constant 0 : i32
    %c0_i32_0 = arith.constant 0 : i32
    %c0_i32_1 = arith.constant 0 : i32
    return %c0_i32, %c0_i32_0 : i32, i32
  }
}

module attributes {stable_mosaic.version = 14 : i64} {
  func.func @_route_kernel(%arg0: memref<512x8xf32, #tpu.memory_space<vmem>>, %arg1: memref<1x32xi32, #tpu.memory_space<vmem>>, %arg2: memref<1024x1xi32, #tpu.memory_space<vmem>>, %arg3: memref<1024x1xf32, #tpu.memory_space<vmem>>) attributes {dimension_semantics = [], scalar_prefetch = 0 : i64, scratch_operands = 0 : i64, tpu.core_type = #tpu.core_type<tc>} {
    %get3A = arith.constant 0 : index
    %get3A_0 = arith.constant 0 : index
    %get3A_1 = vector.load %arg0[%get3A, %get3A_0] : memref<512x8xf32, #tpu.memory_space<vmem>>, vector<512x8xf32>
    %reduce_max3A = arith.constant dense<0xFF800000> : vector<512xf32>
    %reduce_max3A_2 = vector.multi_reduction <maximumf>, %get3A_1, %reduce_max3A [1] : vector<512x8xf32> to vector<512xf32>
    %broadcast_in_dim3A = vector.shape_cast %reduce_max3A_2 : vector<512xf32> to vector<512x1xf32>
    %iota3A = tpu.iota {dimensions = array<i32: 1>} : vector<512x8xi32>
    %eq3A = vector.broadcast %broadcast_in_dim3A : vector<512x1xf32> to vector<512x8xf32>
    %eq3A_3 = arith.cmpf oeq, %get3A_1, %eq3A : vector<512x8xf32>
    %jit3A = arith.constant 8 : i32
    %broadcast_in_dim3A_4 = vector.broadcast %jit3A : i32 to vector<512x8xi32>
    %select_n3A = arith.select %eq3A_3, %iota3A, %broadcast_in_dim3A_4 : vector<512x8xi1>, vector<512x8xi32>
    %reduce_min3A = arith.constant dense<2147483647> : vector<512xi32>
    %reduce_min3A_5 = vector.multi_reduction <minsi>, %select_n3A, %reduce_min3A [1] : vector<512x8xi32> to vector<512xi32>
    %broadcast_in_dim3A_6 = vector.shape_cast %reduce_min3A_5 : vector<512xi32> to vector<512x1xi32>
    %eq3A_7 = vector.broadcast %broadcast_in_dim3A_6 : vector<512x1xi32> to vector<512x8xi32>
    %eq3A_8 = arith.cmpi eq, %iota3A, %eq3A_7 : vector<512x8xi32>
    %jit3A_9 = arith.constant 0xFF800000 : f32
    %broadcast_in_dim3A_10 = vector.broadcast %jit3A_9 : f32 to vector<512x8xf32>
    %select_n3A_11 = arith.select %eq3A_8, %broadcast_in_dim3A_10, %get3A_1 : vector<512x8xi1>, vector<512x8xf32>
    %reduce_max3A_12 = arith.constant dense<0xFF800000> : vector<512xf32>
    %reduce_max3A_13 = vector.multi_reduction <maximumf>, %select_n3A_11, %reduce_max3A_12 [1] : vector<512x8xf32> to vector<512xf32>
    %broadcast_in_dim3A_14 = vector.shape_cast %reduce_max3A_13 : vector<512xf32> to vector<512x1xf32>
    %eq3A_15 = vector.broadcast %broadcast_in_dim3A_14 : vector<512x1xf32> to vector<512x8xf32>
    %eq3A_16 = arith.cmpf oeq, %select_n3A_11, %eq3A_15 : vector<512x8xf32>
    %jit3A_17 = arith.constant 8 : i32
    %broadcast_in_dim3A_18 = vector.broadcast %jit3A_17 : i32 to vector<512x8xi32>
    %select_n3A_19 = arith.select %eq3A_16, %iota3A, %broadcast_in_dim3A_18 : vector<512x8xi1>, vector<512x8xi32>
    %reduce_min3A_20 = arith.constant dense<2147483647> : vector<512xi32>
    %reduce_min3A_21 = vector.multi_reduction <minsi>, %select_n3A_19, %reduce_min3A_20 [1] : vector<512x8xi32> to vector<512xi32>
    %broadcast_in_dim3A_22 = vector.shape_cast %reduce_min3A_21 : vector<512xi32> to vector<512x1xi32>
    %sub3A = arith.subf %broadcast_in_dim3A_14, %broadcast_in_dim3A : vector<512x1xf32>
    %exp3A = math.exp %sub3A : vector<512x1xf32>
    %add3A = arith.constant 1.000000e+00 : f32
    %add3A_23 = vector.broadcast %add3A : f32 to vector<512x1xf32>
    %add3A_24 = arith.addf %add3A_23, %exp3A : vector<512x1xf32>
    %div3A = arith.constant 1.000000e+00 : f32
    %div3A_25 = vector.broadcast %div3A : f32 to vector<512x1xf32>
    %div3A_26 = arith.divf %div3A_25, %add3A_24 : vector<512x1xf32>
    %div3A_27 = arith.divf %exp3A, %add3A_24 : vector<512x1xf32>
    %concatenate3A = tpu.concatenate %broadcast_in_dim3A_6, %broadcast_in_dim3A_22 in 0 : vector<512x1xi32>, vector<512x1xi32> -> vector<1024x1xi32>
    %concatenate3A_28 = tpu.concatenate %div3A_26, %div3A_27 in 0 : vector<512x1xf32>, vector<512x1xf32> -> vector<1024x1xf32>
    %iota3A_29 = tpu.iota {dimensions = array<i32: 1>} : vector<1024x8xi32>
    %eq3A_30 = vector.broadcast %concatenate3A : vector<1024x1xi32> to vector<1024x8xi32>
    %eq3A_31 = arith.cmpi eq, %eq3A_30, %iota3A_29 : vector<1024x8xi32>
    %convert_element_type3A = arith.extui %eq3A_31 : vector<1024x8xi1> to vector<1024x8xi32>
    %convert_element_type3A_32 = arith.sitofp %convert_element_type3A : vector<1024x8xi32> to vector<1024x8xf32>
    %iota3A_33 = tpu.iota {dimensions = array<i32: 0>} : vector<1024x1024xi32>
    %iota3A_34 = tpu.iota {dimensions = array<i32: 1>} : vector<1024x1024xi32>
    %lt3A = arith.cmpi slt, %iota3A_34, %iota3A_33 : vector<1024x1024xi32>
    %convert_element_type3A_35 = arith.extui %lt3A : vector<1024x1024xi1> to vector<1024x1024xi32>
    %convert_element_type3A_36 = arith.sitofp %convert_element_type3A_35 : vector<1024x1024xi32> to vector<1024x1024xf32>
    %dot_general3A = arith.constant dense<0.000000e+00> : vector<1024x8xf32>
    %dot_general3A_37 = tpu.matmul %convert_element_type3A_36, %convert_element_type3A_32, %dot_general3A {dimension_numbers = #tpu.dot_dimension_numbers<[1], [0], [0], [1], [0, 0, 1, 1], [], []>, transpose_lhs_hint = false} : vector<1024x1024xf32>, vector<1024x8xf32>, vector<1024x8xf32> -> vector<1024x8xf32>
    %reduce_sum3A = arith.constant dense<0.000000e+00> : vector<8xf32>
    %reduce_sum3A_38 = vector.multi_reduction <add>, %convert_element_type3A_32, %reduce_sum3A [0] : vector<1024x8xf32> to vector<8xf32>
    %broadcast_in_dim3A_39 = vector.shape_cast %reduce_sum3A_38 : vector<8xf32> to vector<1x8xf32>
    %mul3A = arith.constant 3.906250e-03 : f32
    %mul3A_40 = vector.broadcast %mul3A : f32 to vector<1x8xf32>
    %mul3A_41 = arith.mulf %broadcast_in_dim3A_39, %mul3A_40 : vector<1x8xf32>
    %ceil3A = math.ceil %mul3A_41 : vector<1x8xf32>
    %mul3A_42 = arith.constant 2.560000e+02 : f32
    %mul3A_43 = vector.broadcast %mul3A_42 : f32 to vector<1x8xf32>
    %mul3A_44 = arith.mulf %ceil3A, %mul3A_43 : vector<1x8xf32>
    %iota3A_45 = tpu.iota {dimensions = array<i32: 0>} : vector<8x8xi32>
    %iota3A_46 = tpu.iota {dimensions = array<i32: 1>} : vector<8x8xi32>
    %lt3A_47 = arith.cmpi slt, %iota3A_45, %iota3A_46 : vector<8x8xi32>
    %convert_element_type3A_48 = arith.extui %lt3A_47 : vector<8x8xi1> to vector<8x8xi32>
    %convert_element_type3A_49 = arith.sitofp %convert_element_type3A_48 : vector<8x8xi32> to vector<8x8xf32>
    %dot_general3A_50 = arith.constant dense<0.000000e+00> : vector<1x8xf32>
    %dot_general3A_51 = tpu.matmul %mul3A_44, %convert_element_type3A_49, %dot_general3A_50 {dimension_numbers = #tpu.dot_dimension_numbers<[1], [0], [0], [1], [0, 0, 1, 1], [], []>, transpose_lhs_hint = false} : vector<1x8xf32>, vector<8x8xf32>, vector<1x8xf32> -> vector<1x8xf32>
    %mul3A_52 = vector.broadcast %dot_general3A_51 : vector<1x8xf32> to vector<1024x8xf32>
    %mul3A_53 = arith.mulf %convert_element_type3A_32, %mul3A_52 : vector<1024x8xf32>
    %reduce_sum3A_54 = arith.constant dense<0.000000e+00> : vector<1024xf32>
    %reduce_sum3A_55 = vector.multi_reduction <add>, %mul3A_53, %reduce_sum3A_54 [1] : vector<1024x8xf32> to vector<1024xf32>
    %broadcast_in_dim3A_56 = vector.shape_cast %reduce_sum3A_55 : vector<1024xf32> to vector<1024x1xf32>
    %mul3A_57 = arith.mulf %convert_element_type3A_32, %dot_general3A_37 : vector<1024x8xf32>
    %reduce_sum3A_58 = arith.constant dense<0.000000e+00> : vector<1024xf32>
    %reduce_sum3A_59 = vector.multi_reduction <add>, %mul3A_57, %reduce_sum3A_58 [1] : vector<1024x8xf32> to vector<1024xf32>
    %broadcast_in_dim3A_60 = vector.shape_cast %reduce_sum3A_59 : vector<1024xf32> to vector<1024x1xf32>
    %add3A_61 = arith.addf %broadcast_in_dim3A_56, %broadcast_in_dim3A_60 : vector<1024x1xf32>
    %add3A_62 = arith.addf %dot_general3A_51, %mul3A_44 : vector<1x8xf32>
    %reduce_sum3A_63 = arith.constant dense<0.000000e+00> : vector<1xf32>
    %reduce_sum3A_64 = vector.multi_reduction <add>, %mul3A_44, %reduce_sum3A_63 [1] : vector<1x8xf32> to vector<1xf32>
    %broadcast_in_dim3A_65 = vector.shape_cast %reduce_sum3A_64 : vector<1xf32> to vector<1x1xf32>
    %lt3A_66 = vector.broadcast %broadcast_in_dim3A_65 : vector<1x1xf32> to vector<1x8xf32>
    %lt3A_67 = arith.cmpf olt, %add3A_62, %lt3A_66 : vector<1x8xf32>
    %convert_element_type3A_68 = arith.extui %lt3A_67 : vector<1x8xi1> to vector<1x8xi32>
    %convert_element_type3A_69 = arith.sitofp %convert_element_type3A_68 : vector<1x8xi32> to vector<1x8xf32>
    %reduce_sum3A_70 = arith.constant dense<0.000000e+00> : vector<1xf32>
    %reduce_sum3A_71 = vector.multi_reduction <add>, %convert_element_type3A_69, %reduce_sum3A_70 [1] : vector<1x8xf32> to vector<1xf32>
    %broadcast_in_dim3A_72 = vector.shape_cast %reduce_sum3A_71 : vector<1xf32> to vector<1x1xf32>
    %iota3A_73 = tpu.iota {dimensions = array<i32: 1>} : vector<1x32xi32>
    %convert_element_type3A_74 = arith.sitofp %iota3A_73 : vector<1x32xi32> to vector<1x32xf32>
    %mul3A_75 = arith.constant 2.560000e+02 : f32
    %mul3A_76 = vector.broadcast %mul3A_75 : f32 to vector<1x32xf32>
    %mul3A_77 = arith.mulf %convert_element_type3A_74, %mul3A_76 : vector<1x32xf32>
    %broadcast_in_dim3A_78 = arith.constant 0.000000e+00 : f32
    %broadcast_in_dim3A_79 = vector.broadcast %broadcast_in_dim3A_78 : f32 to vector<1x32xf32>
    %slice3A = vector.extract_strided_slice %add3A_62 {offsets = [0, 0], sizes = [1, 1], strides = [1, 1]} : vector<1x8xf32> to vector<1x1xf32>
    %ge3A = vector.broadcast %slice3A : vector<1x1xf32> to vector<1x32xf32>
    %ge3A_80 = arith.cmpf oge, %mul3A_77, %ge3A : vector<1x32xf32>
    %convert_element_type3A_81 = arith.extui %ge3A_80 : vector<1x32xi1> to vector<1x32xi32>
    %convert_element_type3A_82 = arith.sitofp %convert_element_type3A_81 : vector<1x32xi32> to vector<1x32xf32>
    %add3A_83 = arith.addf %broadcast_in_dim3A_79, %convert_element_type3A_82 : vector<1x32xf32>
    %slice3A_84 = vector.extract_strided_slice %add3A_62 {offsets = [0, 1], sizes = [1, 1], strides = [1, 1]} : vector<1x8xf32> to vector<1x1xf32>
    %ge3A_85 = vector.broadcast %slice3A_84 : vector<1x1xf32> to vector<1x32xf32>
    %ge3A_86 = arith.cmpf oge, %mul3A_77, %ge3A_85 : vector<1x32xf32>
    %convert_element_type3A_87 = arith.extui %ge3A_86 : vector<1x32xi1> to vector<1x32xi32>
    %convert_element_type3A_88 = arith.sitofp %convert_element_type3A_87 : vector<1x32xi32> to vector<1x32xf32>
    %add3A_89 = arith.addf %add3A_83, %convert_element_type3A_88 : vector<1x32xf32>
    %slice3A_90 = vector.extract_strided_slice %add3A_62 {offsets = [0, 2], sizes = [1, 1], strides = [1, 1]} : vector<1x8xf32> to vector<1x1xf32>
    %ge3A_91 = vector.broadcast %slice3A_90 : vector<1x1xf32> to vector<1x32xf32>
    %ge3A_92 = arith.cmpf oge, %mul3A_77, %ge3A_91 : vector<1x32xf32>
    %convert_element_type3A_93 = arith.extui %ge3A_92 : vector<1x32xi1> to vector<1x32xi32>
    %convert_element_type3A_94 = arith.sitofp %convert_element_type3A_93 : vector<1x32xi32> to vector<1x32xf32>
    %add3A_95 = arith.addf %add3A_89, %convert_element_type3A_94 : vector<1x32xf32>
    %slice3A_96 = vector.extract_strided_slice %add3A_62 {offsets = [0, 3], sizes = [1, 1], strides = [1, 1]} : vector<1x8xf32> to vector<1x1xf32>
    %ge3A_97 = vector.broadcast %slice3A_96 : vector<1x1xf32> to vector<1x32xf32>
    %ge3A_98 = arith.cmpf oge, %mul3A_77, %ge3A_97 : vector<1x32xf32>
    %convert_element_type3A_99 = arith.extui %ge3A_98 : vector<1x32xi1> to vector<1x32xi32>
    %convert_element_type3A_100 = arith.sitofp %convert_element_type3A_99 : vector<1x32xi32> to vector<1x32xf32>
    %add3A_101 = arith.addf %add3A_95, %convert_element_type3A_100 : vector<1x32xf32>
    %slice3A_102 = vector.extract_strided_slice %add3A_62 {offsets = [0, 4], sizes = [1, 1], strides = [1, 1]} : vector<1x8xf32> to vector<1x1xf32>
    %ge3A_103 = vector.broadcast %slice3A_102 : vector<1x1xf32> to vector<1x32xf32>
    %ge3A_104 = arith.cmpf oge, %mul3A_77, %ge3A_103 : vector<1x32xf32>
    %convert_element_type3A_105 = arith.extui %ge3A_104 : vector<1x32xi1> to vector<1x32xi32>
    %convert_element_type3A_106 = arith.sitofp %convert_element_type3A_105 : vector<1x32xi32> to vector<1x32xf32>
    %add3A_107 = arith.addf %add3A_101, %convert_element_type3A_106 : vector<1x32xf32>
    %slice3A_108 = vector.extract_strided_slice %add3A_62 {offsets = [0, 5], sizes = [1, 1], strides = [1, 1]} : vector<1x8xf32> to vector<1x1xf32>
    %ge3A_109 = vector.broadcast %slice3A_108 : vector<1x1xf32> to vector<1x32xf32>
    %ge3A_110 = arith.cmpf oge, %mul3A_77, %ge3A_109 : vector<1x32xf32>
    %convert_element_type3A_111 = arith.extui %ge3A_110 : vector<1x32xi1> to vector<1x32xi32>
    %convert_element_type3A_112 = arith.sitofp %convert_element_type3A_111 : vector<1x32xi32> to vector<1x32xf32>
    %add3A_113 = arith.addf %add3A_107, %convert_element_type3A_112 : vector<1x32xf32>
    %slice3A_114 = vector.extract_strided_slice %add3A_62 {offsets = [0, 6], sizes = [1, 1], strides = [1, 1]} : vector<1x8xf32> to vector<1x1xf32>
    %ge3A_115 = vector.broadcast %slice3A_114 : vector<1x1xf32> to vector<1x32xf32>
    %ge3A_116 = arith.cmpf oge, %mul3A_77, %ge3A_115 : vector<1x32xf32>
    %convert_element_type3A_117 = arith.extui %ge3A_116 : vector<1x32xi1> to vector<1x32xi32>
    %convert_element_type3A_118 = arith.sitofp %convert_element_type3A_117 : vector<1x32xi32> to vector<1x32xf32>
    %add3A_119 = arith.addf %add3A_113, %convert_element_type3A_118 : vector<1x32xf32>
    %slice3A_120 = vector.extract_strided_slice %add3A_62 {offsets = [0, 7], sizes = [1, 1], strides = [1, 1]} : vector<1x8xf32> to vector<1x1xf32>
    %ge3A_121 = vector.broadcast %slice3A_120 : vector<1x1xf32> to vector<1x32xf32>
    %ge3A_122 = arith.cmpf oge, %mul3A_77, %ge3A_121 : vector<1x32xf32>
    %convert_element_type3A_123 = arith.extui %ge3A_122 : vector<1x32xi1> to vector<1x32xi32>
    %convert_element_type3A_124 = arith.sitofp %convert_element_type3A_123 : vector<1x32xi32> to vector<1x32xf32>
    %add3A_125 = arith.addf %add3A_119, %convert_element_type3A_124 : vector<1x32xf32>
    %lt3A_126 = vector.broadcast %broadcast_in_dim3A_65 : vector<1x1xf32> to vector<1x32xf32>
    %lt3A_127 = arith.cmpf olt, %mul3A_77, %lt3A_126 : vector<1x32xf32>
    %broadcast_in_dim3A_128 = vector.shape_cast %broadcast_in_dim3A_72 : vector<1x1xf32> to vector<1x1xf32>
    %broadcast_in_dim3A_129 = vector.broadcast %broadcast_in_dim3A_128 : vector<1x1xf32> to vector<1x32xf32>
    %select_n3A_130 = arith.select %lt3A_127, %add3A_125, %broadcast_in_dim3A_129 : vector<1x32xi1>, vector<1x32xf32>
    %mul3A_131 = arith.constant 3.906250e-03 : f32
    %mul3A_132 = vector.broadcast %mul3A_131 : f32 to vector<1x1xf32>
    %mul3A_133 = arith.mulf %broadcast_in_dim3A_65, %mul3A_132 : vector<1x1xf32>
    %add3A_134 = arith.addf %dot_general3A_51, %broadcast_in_dim3A_39 : vector<1x8xf32>
    %broadcast_in_dim3A_135 = arith.constant 0.000000e+00 : f32
    %broadcast_in_dim3A_136 = vector.broadcast %broadcast_in_dim3A_135 : f32 to vector<1x32xf32>
    %iota3A_137 = tpu.iota {dimensions = array<i32: 1>} : vector<1x32xi32>
    %slice3A_138 = vector.extract_strided_slice %add3A_134 {offsets = [0, 0], sizes = [1, 1], strides = [1, 1]} : vector<1x8xf32> to vector<1x1xf32>
    %eq3A_139 = arith.constant 16 : i32
    %eq3A_140 = vector.broadcast %eq3A_139 : i32 to vector<1x32xi32>
    %eq3A_141 = arith.cmpi eq, %iota3A_137, %eq3A_140 : vector<1x32xi32>
    %jit3A_142 = arith.constant 0.000000e+00 : f32
    %broadcast_in_dim3A_143 = vector.shape_cast %slice3A_138 : vector<1x1xf32> to vector<1x1xf32>
    %broadcast_in_dim3A_144 = vector.broadcast %broadcast_in_dim3A_143 : vector<1x1xf32> to vector<1x32xf32>
    %broadcast_in_dim3A_145 = vector.broadcast %jit3A_142 : f32 to vector<1x32xf32>
    %select_n3A_146 = arith.select %eq3A_141, %broadcast_in_dim3A_144, %broadcast_in_dim3A_145 : vector<1x32xi1>, vector<1x32xf32>
    %add3A_147 = arith.addf %broadcast_in_dim3A_136, %select_n3A_146 : vector<1x32xf32>
    %slice3A_148 = vector.extract_strided_slice %add3A_134 {offsets = [0, 1], sizes = [1, 1], strides = [1, 1]} : vector<1x8xf32> to vector<1x1xf32>
    %eq3A_149 = arith.constant 17 : i32
    %eq3A_150 = vector.broadcast %eq3A_149 : i32 to vector<1x32xi32>
    %eq3A_151 = arith.cmpi eq, %iota3A_137, %eq3A_150 : vector<1x32xi32>
    %jit3A_152 = arith.constant 0.000000e+00 : f32
    %broadcast_in_dim3A_153 = vector.shape_cast %slice3A_148 : vector<1x1xf32> to vector<1x1xf32>
    %broadcast_in_dim3A_154 = vector.broadcast %broadcast_in_dim3A_153 : vector<1x1xf32> to vector<1x32xf32>
    %broadcast_in_dim3A_155 = vector.broadcast %jit3A_152 : f32 to vector<1x32xf32>
    %select_n3A_156 = arith.select %eq3A_151, %broadcast_in_dim3A_154, %broadcast_in_dim3A_155 : vector<1x32xi1>, vector<1x32xf32>
    %add3A_157 = arith.addf %add3A_147, %select_n3A_156 : vector<1x32xf32>
    %slice3A_158 = vector.extract_strided_slice %add3A_134 {offsets = [0, 2], sizes = [1, 1], strides = [1, 1]} : vector<1x8xf32> to vector<1x1xf32>
    %eq3A_159 = arith.constant 18 : i32
    %eq3A_160 = vector.broadcast %eq3A_159 : i32 to vector<1x32xi32>
    %eq3A_161 = arith.cmpi eq, %iota3A_137, %eq3A_160 : vector<1x32xi32>
    %jit3A_162 = arith.constant 0.000000e+00 : f32
    %broadcast_in_dim3A_163 = vector.shape_cast %slice3A_158 : vector<1x1xf32> to vector<1x1xf32>
    %broadcast_in_dim3A_164 = vector.broadcast %broadcast_in_dim3A_163 : vector<1x1xf32> to vector<1x32xf32>
    %broadcast_in_dim3A_165 = vector.broadcast %jit3A_162 : f32 to vector<1x32xf32>
    %select_n3A_166 = arith.select %eq3A_161, %broadcast_in_dim3A_164, %broadcast_in_dim3A_165 : vector<1x32xi1>, vector<1x32xf32>
    %add3A_167 = arith.addf %add3A_157, %select_n3A_166 : vector<1x32xf32>
    %slice3A_168 = vector.extract_strided_slice %add3A_134 {offsets = [0, 3], sizes = [1, 1], strides = [1, 1]} : vector<1x8xf32> to vector<1x1xf32>
    %eq3A_169 = arith.constant 19 : i32
    %eq3A_170 = vector.broadcast %eq3A_169 : i32 to vector<1x32xi32>
    %eq3A_171 = arith.cmpi eq, %iota3A_137, %eq3A_170 : vector<1x32xi32>
    %jit3A_172 = arith.constant 0.000000e+00 : f32
    %broadcast_in_dim3A_173 = vector.shape_cast %slice3A_168 : vector<1x1xf32> to vector<1x1xf32>
    %broadcast_in_dim3A_174 = vector.broadcast %broadcast_in_dim3A_173 : vector<1x1xf32> to vector<1x32xf32>
    %broadcast_in_dim3A_175 = vector.broadcast %jit3A_172 : f32 to vector<1x32xf32>
    %select_n3A_176 = arith.select %eq3A_171, %broadcast_in_dim3A_174, %broadcast_in_dim3A_175 : vector<1x32xi1>, vector<1x32xf32>
    %add3A_177 = arith.addf %add3A_167, %select_n3A_176 : vector<1x32xf32>
    %slice3A_178 = vector.extract_strided_slice %add3A_134 {offsets = [0, 4], sizes = [1, 1], strides = [1, 1]} : vector<1x8xf32> to vector<1x1xf32>
    %eq3A_179 = arith.constant 20 : i32
    %eq3A_180 = vector.broadcast %eq3A_179 : i32 to vector<1x32xi32>
    %eq3A_181 = arith.cmpi eq, %iota3A_137, %eq3A_180 : vector<1x32xi32>
    %jit3A_182 = arith.constant 0.000000e+00 : f32
    %broadcast_in_dim3A_183 = vector.shape_cast %slice3A_178 : vector<1x1xf32> to vector<1x1xf32>
    %broadcast_in_dim3A_184 = vector.broadcast %broadcast_in_dim3A_183 : vector<1x1xf32> to vector<1x32xf32>
    %broadcast_in_dim3A_185 = vector.broadcast %jit3A_182 : f32 to vector<1x32xf32>
    %select_n3A_186 = arith.select %eq3A_181, %broadcast_in_dim3A_184, %broadcast_in_dim3A_185 : vector<1x32xi1>, vector<1x32xf32>
    %add3A_187 = arith.addf %add3A_177, %select_n3A_186 : vector<1x32xf32>
    %slice3A_188 = vector.extract_strided_slice %add3A_134 {offsets = [0, 5], sizes = [1, 1], strides = [1, 1]} : vector<1x8xf32> to vector<1x1xf32>
    %eq3A_189 = arith.constant 21 : i32
    %eq3A_190 = vector.broadcast %eq3A_189 : i32 to vector<1x32xi32>
    %eq3A_191 = arith.cmpi eq, %iota3A_137, %eq3A_190 : vector<1x32xi32>
    %jit3A_192 = arith.constant 0.000000e+00 : f32
    %broadcast_in_dim3A_193 = vector.shape_cast %slice3A_188 : vector<1x1xf32> to vector<1x1xf32>
    %broadcast_in_dim3A_194 = vector.broadcast %broadcast_in_dim3A_193 : vector<1x1xf32> to vector<1x32xf32>
    %broadcast_in_dim3A_195 = vector.broadcast %jit3A_192 : f32 to vector<1x32xf32>
    %select_n3A_196 = arith.select %eq3A_191, %broadcast_in_dim3A_194, %broadcast_in_dim3A_195 : vector<1x32xi1>, vector<1x32xf32>
    %add3A_197 = arith.addf %add3A_187, %select_n3A_196 : vector<1x32xf32>
    %slice3A_198 = vector.extract_strided_slice %add3A_134 {offsets = [0, 6], sizes = [1, 1], strides = [1, 1]} : vector<1x8xf32> to vector<1x1xf32>
    %eq3A_199 = arith.constant 22 : i32
    %eq3A_200 = vector.broadcast %eq3A_199 : i32 to vector<1x32xi32>
    %eq3A_201 = arith.cmpi eq, %iota3A_137, %eq3A_200 : vector<1x32xi32>
    %jit3A_202 = arith.constant 0.000000e+00 : f32
    %broadcast_in_dim3A_203 = vector.shape_cast %slice3A_198 : vector<1x1xf32> to vector<1x1xf32>
    %broadcast_in_dim3A_204 = vector.broadcast %broadcast_in_dim3A_203 : vector<1x1xf32> to vector<1x32xf32>
    %broadcast_in_dim3A_205 = vector.broadcast %jit3A_202 : f32 to vector<1x32xf32>
    %select_n3A_206 = arith.select %eq3A_201, %broadcast_in_dim3A_204, %broadcast_in_dim3A_205 : vector<1x32xi1>, vector<1x32xf32>
    %add3A_207 = arith.addf %add3A_197, %select_n3A_206 : vector<1x32xf32>
    %slice3A_208 = vector.extract_strided_slice %add3A_134 {offsets = [0, 7], sizes = [1, 1], strides = [1, 1]} : vector<1x8xf32> to vector<1x1xf32>
    %eq3A_209 = arith.constant 23 : i32
    %eq3A_210 = vector.broadcast %eq3A_209 : i32 to vector<1x32xi32>
    %eq3A_211 = arith.cmpi eq, %iota3A_137, %eq3A_210 : vector<1x32xi32>
    %jit3A_212 = arith.constant 0.000000e+00 : f32
    %broadcast_in_dim3A_213 = vector.shape_cast %slice3A_208 : vector<1x1xf32> to vector<1x1xf32>
    %broadcast_in_dim3A_214 = vector.broadcast %broadcast_in_dim3A_213 : vector<1x1xf32> to vector<1x32xf32>
    %broadcast_in_dim3A_215 = vector.broadcast %jit3A_212 : f32 to vector<1x32xf32>
    %select_n3A_216 = arith.select %eq3A_211, %broadcast_in_dim3A_214, %broadcast_in_dim3A_215 : vector<1x32xi1>, vector<1x32xf32>
    %add3A_217 = arith.addf %add3A_207, %select_n3A_216 : vector<1x32xf32>
    %lt3A_218 = arith.constant 12 : i32
    %lt3A_219 = vector.broadcast %lt3A_218 : i32 to vector<1x32xi32>
    %lt3A_220 = arith.cmpi slt, %iota3A_137, %lt3A_219 : vector<1x32xi32>
    %lt3A_221 = arith.constant 16 : i32
    %lt3A_222 = vector.broadcast %lt3A_221 : i32 to vector<1x32xi32>
    %lt3A_223 = arith.cmpi slt, %iota3A_137, %lt3A_222 : vector<1x32xi32>
    %broadcast_in_dim3A_224 = vector.shape_cast %mul3A_133 : vector<1x1xf32> to vector<1x1xf32>
    %broadcast_in_dim3A_225 = vector.broadcast %broadcast_in_dim3A_224 : vector<1x1xf32> to vector<1x32xf32>
    %select_n3A_226 = arith.select %lt3A_223, %broadcast_in_dim3A_225, %add3A_217 : vector<1x32xi1>, vector<1x32xf32>
    %select_n3A_227 = arith.select %lt3A_220, %select_n3A_130, %select_n3A_226 : vector<1x32xi1>, vector<1x32xf32>
    %convert_element_type3A_228 = arith.fptosi %select_n3A_227 : vector<1x32xf32> to vector<1x32xi32>
    %swap3A = arith.constant 0 : index
    %swap3A_229 = arith.constant 0 : index
    %swap3A_230 = vector.load %arg1[%swap3A, %swap3A_229] : memref<1x32xi32, #tpu.memory_space<vmem>>, vector<1x32xi32>
    tpu.vector_store %arg1[%swap3A, %swap3A_229], %convert_element_type3A_228 {strides = array<i32>} : memref<1x32xi32, #tpu.memory_space<vmem>>, vector<1x32xi32>,
    %convert_element_type3A_231 = arith.fptosi %add3A_61 : vector<1024x1xf32> to vector<1024x1xi32>
    %swap3A_232 = arith.constant 0 : index
    %swap3A_233 = arith.constant 0 : index
    %swap3A_234 = vector.load %arg2[%swap3A_232, %swap3A_233] : memref<1024x1xi32, #tpu.memory_space<vmem>>, vector<1024x1xi32>
    tpu.vector_store %arg2[%swap3A_232, %swap3A_233], %convert_element_type3A_231 {strides = array<i32>} : memref<1024x1xi32, #tpu.memory_space<vmem>>, vector<1024x1xi32>,
    %swap3A_235 = arith.constant 0 : index
    %swap3A_236 = arith.constant 0 : index
    %swap3A_237 = vector.load %arg3[%swap3A_235, %swap3A_236] : memref<1024x1xf32, #tpu.memory_space<vmem>>, vector<1024x1xf32>
    tpu.vector_store %arg3[%swap3A_235, %swap3A_236], %concatenate3A_28 {strides = array<i32>} : memref<1024x1xf32, #tpu.memory_space<vmem>>, vector<1024x1xf32>,
    return
  }
}

</mosaic_0001>

<sc_bundles>
// kernel: kernel.5.cloned.1.call-start
scs
__scs_entry_jumppad:
0x0: {  	(pc) =	sbr.rel $0x88, $3  }
0x1: {  	(tag) =	ssettag $0x0;
	lr =	simm.s32 $0x1  }
0x2: {  	[smem:$0x3F9C] =	sst lr;
	_ =	strace $0xD0000000  }
0x3: {  	_ = 	snop  }
0x4: {  	_ = 	snop  }
0x5: {  	_ = 	snop  }
0x6: {  	_ = 	snop  }
0x7: {  	_ = 	snop  }
__scs_overlays_trampoline_lowered:
0x8: {  	[smem:$0x3FAB] =	sst s0  }
0x9: {  	[smem:$0x3FAC] =	sst s1  }
0xa: {  	[smem:$0x3FAD] =	sst s2  }
0xb: {  	[smem:$0x3FAE] =	sst s3  }
0xc: {  	[smem:$0x3FAF] =	sst s4  }
0xd: {  	[smem:$0x3FB0] =	sst s5  }
0xe: {  	[smem:$0x3FB1] =	sst s6  }
0xf: {  	[smem:$0x3FB2] =	sst s7  }
0x10: {  	[smem:$0x3FB3] =	sst s8  }
0x11: {  	[smem:$0x3FB4] =	sst s9;
	s0 =	simm.s32 @!p0 $0x0  }
0x12: {  	s1 =	sld [smem:$0x3F9A];
	s0 =	simm.s32 @p0 $0x1  }
0x13: {  	[smem:$0x3FB5] =	sst s0;
	s0 =	simm.s32 @!p1 $0x0  }
0x14: {  	s2 =	sld [smem:$0x3F99];
	s0 =	simm.s32 @p1 $0x1  }
0x15: {  	[smem:$0x3FB6] =	sst s0;
	s0 =	simm.s32 @!p2 $0x0  }
0x16: {  	s3 =	sld [smem:$0x3FDB];
	s0 =	simm.s32 @p2 $0x1  }
0x17: {  	s4 =	simm.s32 $0x1BF5;
	[smem:$0x3FB8] =	sst s0  }
0x18: {  	s0 =	sld [smem:$0x3F9B];
	_ =	swait.ge [sflag:s4], $0x0  }
0x19: {  	s7 =	sld [smem:$0x3F9C]  }
0x1a: {  	s8 =	sadd.s32 $0xFFFFE003, lr  }
0x1b: {  	s9 =	sadd.s32 $0xFFFFFEF7, lr;
	s5 =	simm.s32 $0xFFFFFFFF;
	p2 =	slt.u32 s8, $0xFFFFF086  }
0x1c: {  	p1 =	slt.u32 s9, $0xF7A;
	s5 =	simm.s32 @!p2 $0x0  }
0x1d: {  	s5 =	simm.s32 @p1 $0x1;
	p0 =	seq.s32 s7, s2  }
0x1e: {  	s7 =	smul.u32 @!p0 $0xF7A, s2;
	p2 =	seq.s32 @!p0 s5, $0x0  }
0x1f: {  	s9 =	smul.u32 $0xF7A, s1;
	s8 =	simm.s32 @!p0 $0x1BF5;
	p2 =	por !p2, p0  }
0x20: {  	[sflag:s8] =	ssyncset.s32 @!p0 $0xFFFFF086;
	s6 =	sadd.s32 @!p0 s3, s7;
	s7 =	simm.s32 @!p0 $0x108  }
0x21: {  	s3 =	sadd.s32 s3, s9;
	s6 =	sadd.s32 @!p0 $0x88, s6;
	s7 =	simm.s32 @p2 $0x1082  }
0x22: {  	[simem:s7], [sflag:s8] =	dma.local @!p0 [hbm:s6], $0xF7A  }
0x23: {  	s9 =	sor.u32 $0xD0000000, s2;
	s6 =	simm.s32 $0x108;
	_ =	swait.ge @!p0 [sflag:s8], $0x0  }
0x24: {  	s3 =	sadd.s32 $0x88, s3;
	s6 =	simm.s32 @!p1 $0x1082;
	[sflag:s4] =	ssyncset.s32 $0xFFFFF086  }
0x25: {  	[simem:s6], [sflag:s4] =	dma.local [hbm:s3], $0xF7A  }
0x26: {  	[smem:$0x3F9C] =	sst s1;
	(tag) =	ssettag s2;
	_ =	strace s9  }
0x27: {  	s1 =	sld [smem:$0x3FAC]  }
0x28: {  	s2 =	sld [smem:$0x3FAD]  }
0x29: {  	s4 =	sld [smem:$0x3FAF]  }
0x2a: {  	p0 =	seq.s32 s5, $0x0;
	s5 =	sld [smem:$0x3FB0]  }
0x2b: {  	s6 =	sld [smem:$0x3FB1]  }
0x2c: {  	s7 =	sld [smem:$0x3FB2]  }
0x2d: {  	s3 =	simm.s32 $0x108;
	s8 =	sld [smem:$0x3FB3]  }
0x2e: {  	s3 =	simm.s32 @!p0 $0x1082;
	s9 =	sld [smem:$0x3FB4]  }
0x2f: {  	lr =	sadd.s32 s0, s3;
	s0 =	sld [smem:$0x3FAB]  }
0x30: {  	s3 =	sld [smem:$0x3FAE]  }
0x31: {  	[smem:$0x3FB7] =	sst s10  }
0x32: {  	s10 =	sld [smem:$0x3FB5];
	_ =	sdelay $0x3  }
0x33: {  	p0 =	seq.s32 s10, $0x1;
	s10 =	sld [smem:$0x3FB7];
	_ =	sdelay $0x3  }
0x34: {  	[smem:$0x3FB7] =	sst s10  }
0x35: {  	s10 =	sld [smem:$0x3FB6];
	_ =	sdelay $0x3  }
0x36: {  	p1 =	seq.s32 s10, $0x1;
	s10 =	sld [smem:$0x3FB7];
	_ =	sdelay $0x3  }
0x37: {  	[smem:$0x3FB7] =	sst s10  }
0x38: {  	s10 =	sld [smem:$0x3FB8]  }
0x39: {  	_ = 	snop;
	(pc) =	sbr.ind lr, $3  }
0x3a: {  	_ = 	snop  }
0x3b: {  	_ = 	snop  }
0x3c: {  	p2 =	seq.s32 s10, $0x1;
	s10 =	sld [smem:$0x3FB7]  }
0x3d: {  	_ =	shalt  }
0x3e: {  	_ =	shalt  }
0x3f: {  	_ =	shalt  }
0x40: {  	_ =	shalt  }
0x41: {  	_ =	shalt  }
0x42: {  	_ =	shalt  }
0x43: {  	_ =	shalt  }
0x44: {  	_ =	shalt  }
0x45: {  	_ =	shalt  }
0x46: {  	_ =	shalt  }
0x47: {  	_ =	shalt  }
0x48: {  	_ =	shalt  }
0x49: {  	_ =	shalt  }
0x4a: {  	_ =	shalt  }
0x4b: {  	_ =	shalt  }
0x4c: {  	_ =	shalt  }
0x4d: {  	_ =	shalt  }
0x4e: {  	_ =	shalt  }
0x4f: {  	_ =	shalt  }
0x50: {  	_ =	shalt  }
0x51: {  	_ =	shalt  }
0x52: {  	_ =	shalt  }
0x53: {  	_ =	shalt  }
0x54: {  	_ =	shalt  }
0x55: {  	_ =	shalt  }
0x56: {  	_ =	shalt  }
0x57: {  	_ =	shalt  }
0x58: {  	_ =	shalt  }
0x59: {  	_ =	shalt  }
0x5a: {  	_ =	shalt  }
0x5b: {  	_ =	shalt  }
0x5c: {  	_ =	shalt  }
0x5d: {  	_ =	shalt  }
0x5e: {  	_ =	shalt  }
0x5f: {  	_ =	shalt  }
0x60: {  	_ =	shalt  }
0x61: {  	_ =	shalt  }
0x62: {  	_ =	shalt  }
0x63: {  	_ =	shalt  }
0x64: {  	_ =	shalt  }
0x65: {  	_ =	shalt  }
0x66: {  	_ =	shalt  }
0x67: {  	_ =	shalt  }
0x68: {  	_ =	shalt  }
0x69: {  	_ =	shalt  }
0x6a: {  	_ =	shalt  }
0x6b: {  	_ =	shalt  }
0x6c: {  	_ =	shalt  }
0x6d: {  	_ =	shalt  }
0x6e: {  	_ =	shalt  }
0x6f: {  	_ =	shalt  }
0x70: {  	_ =	shalt  }
0x71: {  	_ =	shalt  }
0x72: {  	_ =	shalt  }
0x73: {  	_ =	shalt  }
0x74: {  	_ =	shalt  }
0x75: {  	_ =	shalt  }
0x76: {  	_ =	shalt  }
0x77: {  	_ =	shalt  }
0x78: {  	_ =	shalt  }
0x79: {  	_ =	shalt  }
0x7a: {  	_ =	shalt  }
0x7b: {  	_ =	shalt  }
0x7c: {  	_ =	shalt  }
0x7d: {  	_ =	shalt  }
0x7e: {  	_ =	shalt  }
0x7f: {  	_ =	shalt  }
0x80: {  	_ =	shalt  }
0x81: {  	_ =	shalt  }
0x82: {  	_ =	shalt  }
0x83: {  	_ =	shalt  }
0x84: {  	_ =	shalt  }
0x85: {  	_ =	shalt  }
0x86: {  	_ =	shalt  }
0x87: {  	_ =	shalt  }
.Lfunc_end0:
.L_simem_size_0:
called_computation_lowered:
.L_overlay_start_0:
0x88: {  	s2 =	sld [smem:$0x3FD9]  }
0x89: {  	s3 =	sld [smem:$0x3FFE];
	_ =	sdelay $0x1  }
0x8a: {  	s1 =	srdreg.scid  }
0x8b: {  	s0 =	sand.u32 $0x1, s1  }
0x8c: {  	s17 =	sshll.u32 s0, $0xA;
	s2 =	sadd.s32 s3, s2  }
0x8d: {  	s2 =	sadd.s32 s2, s17  }
0x8e: {  	[smem:$0x3FC3] =	sst s2  }
0x8f: {  	_ = 	snop  }
0x90: {  	s2 =	sld [smem:$0x3FC9]  }
0x91: {  	s18 =	sld [smem:$0x3FD0];
	(tm) =	ssettm $0x1  }
0x92: {  	s4 =	sld [smem:$0x3FFB];
	_ =	sdelay $0x3  }
0x93: {  	_ =	strace s4  }
0x94: {  	s4 =	sld [smem:$0x3FFC];
	_ =	sdelay $0x3  }
0x95: {  	_ =	strace s4  }
0x96: {  	s4 =	sld [smem:$0x3FFD];
	_ =	sdelay $0x3  }
0x97: {  	_ =	strace s4  }
0x98: {  	_ =	strace $0x8FFFFFFF  }
0x99: {  	s19 =	sld [smem:$0x3FDB];
	_ =	sdelay $0x1  }
0x9a: {  	s5 =	simm.s32 $_scs_section_size  }
0x9b: {  	s6 =	simm.s32 $_size__tile_overlayer_lowered;
	s7 =	simm.s32 $_tile_overlayer_lowered  }
0x9c: {  	s22 =	simm.s32 $0x1BFF;
	s21 =	sshll.u32 s7, $0x1;
	s4 =	sadd.s32 s5, s19  }
0x9d: {  	s8 =	simm.s32 $0x0;
	s20 =	sshll.u32 s6, $0x1;
	s6 =	sadd.s32 s21, s4  }
0x9e: {  	[timem:s8], [sflag:s22] =	dma.local [hbm:s6], s20  }
0x9f: {  	_ =	swait.ge [sflag:s22], s20  }
0xa0: {  	s5 =	ssub.s32 $0x0, s20;
	[sflag:s22] =	ssyncset.done $0x0  }
0xa1: {  	[sflag:s22] =	ssyncadd.s32 s5;
	_ =	sdelay $0x1  }
0xa2: {  	s23 =	simm.s32 $0x1B8B  }
0xa3: {  	_ =	swait.ge [sflag:s23], $0x1  }
0xa4: {  	[sflag:s23] =	ssyncset.done $0x0  }
0xa5: {  	s25 =	simm.s32 $0x1B8E;
	s24 =	sld [smem:$0x3FFE];
	[sflag:s23] =	ssyncadd.s32 $0xFFFFFFFF  }
0xa6: {  	s26 =	simm.s32 $execute0_lowered;
	[smem:$0x3FD2] =	sst s25  }
0xa7: {  	s6 =	sshll.u32 s26, $0x1;
	_ =	strace $0x80000046;
	[dreg:$0x1] =	wrdreg $0xFFFFFFFF  }
0xa8: {  	s28 =	simm.s32 $_size_execute0_lowered;
	s4 =	sadd.s32 s4, s6;
	[dreg:$0x0] =	wrdreg $0x0  }
0xa9: {  	s6 =	sshll.u32 s28, $0x1;
	[dreg:$0x2] =	wrdreg s4  }
0xaa: {  	[dreg:$0x3] =	wrdreg s6  }
0xab: {  	[dreg:$0x4] =	wrdreg $0xC0  }
0xac: {  	_ =	task [dreg:s8], $0x5FFFF  }
0xad: {  	[dreg:$0x1] =	wrdreg $0xFFFFFFFF  }
0xae: {  	[dreg:$0x0] =	wrdreg $0x60  }
0xaf: {  	[dreg:$0x2] =	wrdreg s2  }
0xb0: {  	[dreg:$0x3] =	wrdreg s18  }
0xb1: {  	[dreg:$0x4] =	wrdreg s24  }
0xb2: {  	[dreg:$0x5] =	wrdreg $0x9  }
0xb3: {  	_ =	task.clear_ibuf [dreg:s8], $0x6FFFF;
	_ =	strace $0x90000046  }
0xb4: {  	s29 =	simm.s32 $0x9;
	_ =	strace $0x80000048  }
0xb5: {  	_ =	swait.ge [sflag:s29], $0x1  }
0xb6: {  	[sflag:s29] =	ssyncadd.s32 $0xFFFFFFFF  }
0xb7: {  	_ =	strace $0x90000048  }
0xb8: {  	_ =	sfence  }
0xb9: {  	s30 =	sld [smem:$0x0];
	_ =	sdelay $0x2  }
0xba: {  	s31 =	sshll.u32 s1, $0xD;
	s1 =	sshrl.u32 s1, $0x2  }
0xbb: {  	s3 =	sand.u32 $0x4000, s31;
	s1 =	sadd.s32 s1, s30  }
0xbc: {  	s0 =	sor.u32 s3, s0;
	s1 =	sshll.u32 s1, $0x11  }
0xbd: {  	s0 =	sor.u32 s1, s0  }
0xbe: {  	s0 =	sadd.s32 $0x8F2B, s0  }
0xbf: {  	[sflag:s0] =	ssyncadd.remote.s32 $0x1  }
0xc0: {  	_ =	sfence.sel $0xFFFF  }
0xc1: {  	[dreg:$0x0] =	wrdreg $0xFFFFFFFF;
	(pc) =	sbr.abs _section_cstart, $3  }
0xc2: {  	[dreg:$0x1] =	wrdreg $0xFFFFFFFF  }
0xc3: {  	_ =	task.clear_ibuf [dreg:s8], $0x2FFFF;
	_ =	strace $0x9FFFFFFF  }
0xc4: {  	(tm) =	ssettm $0x7FFFFFFF  }
0xc5: {  	_ =	shalt  }
tec
execute0_lowered:
.L_overlay_start_1:
0x0: {  	(tag) =	ssettag $0x1  }
0x1: {  	s5 =	rddreg [dreg:$0x0]  }
0x2: {  	s4 =	rddreg [dreg:$0x1]  }
0x3: {  	s8 =	rddreg [dreg:$0x2]  }
0x4: {  	s0 =	rddreg [dreg:$0x3];
	s3 =	srdreg.scid  }
0x5: {  	s2 =	simm.s32 $0x0;
	s1 =	stileid.u32;
	s11 =	simm.s32 $0x80  }
0x6: {  	s12 =	simm.s32 $0x880;
	s13 =	simm.s32 $0x1080;
	s14 =	simm.s32 $0x1880  }
0x7: {  	s15 =	simm.s32 $0x2080;
	s16 =	simm.s32 $0x2880;
	s17 =	simm.s32 $0x3080  }
0x8: {  	s18 =	simm.s32 $0x3880;
	s19 =	simm.s32 $0x4080;
	s20 =	simm.s32 $0x4880  }
0x9: {  	s21 =	simm.s32 $0x5080;
	s22 =	simm.s32 $0x5880;
	s23 =	simm.s32 $0x6080  }
0xa: {  	s24 =	simm.s32 $0x6880;
	s25 =	simm.s32 $0x7080;
	s26 =	simm.s32 $0x7880  }
0xb: {  	s28 =	simm.s32 $0x1;
	s3 =	sand.u32 $0x1, s3;
	[smem:$0x7FF] =	sst s2  }
0xc: {  	s6 =	sshll.u32 s1, $0x6;
	s7 =	sshll.u32 s3, $0x5;
	_ =	strace $0x80000047  }
0xd: {  	s9 =	ssub.s32 $0x2, s3;
	s3 =	sadd.s32 $0x400, s8;
	s6 =	sor.u32 s7, s6  }
0xe: {  	s30 =	sshrl.u32 s9, $0x1;
	s7 =	sadd.s32 $0x600, s8;
	s10 =	sshll.u32 s6, $0x7  }
0xf: {  	v2 =	vlaneseq.u32;
	s9 =	ssub.s32 s9, s30;
	s6 =	sshrl.u32 s6, $0x3;
	s31 =	sand.u32 $0xF000, s10  }
0x10: {  	vm0 =	vmmov $0xffff;
	v1 =	vshrl.u32 v2, $0x3;
	s4 =	sadd.s32 s4, s6;
	s6 =	sadd.s32 $0x500, s8;
	s8 =	sadd.s32 $0x700, s8  }
0x11: {  	v0 =	vand.u32 $0x7, v2;
	v2 =	vor.u32 $0x8, v2;
	v1 =	vmul.u32 $0x8, v1;
	s9 =	smax.u32 s9, $0x1;
	s10 =	simm.s32 $0x2;
	s5 =	sadd.s32 s5, s31  }
.LBB2_1:
0x12: {  	[tilespmem:s2], [sflag:$0x2] =	stream.linear.gather [hbm4b:s4+s2], $0x20, $0x38;
	[tilespmem:$0x8080] =	vst v63  }
0x13: {  	_ =	swait.ge [sflag:s10], $0x20  }
0x14: {  	[sflag:s10] =	ssyncset.done $0x0  }
0x15: {  	[sflag:s10] =	ssyncadd.s32 $0xFFFFFFE0  }
0x16: {  	[tilespmem:s11], [sflag:$0x2] =	stream.linear.gather [hbm4b:s5+s2], $0x8000, $0x38;
	[tilespmem:$0x8080] =	vst v63  }
0x17: {  	_ =	swait.ge [sflag:s10], $0x8000  }
0x18: {  	[sflag:s10] =	ssyncset.done $0x0  }
0x19: {  	[sflag:s10] =	ssyncadd.s32 $0xFFFF8000  }
0x1a: {  	v3 =	vld [tilespmem:$0x0];
	_ =	sdelay $0x4  }
0x1b: {  	v4 =	vshll.u32 v3, $0x3  }
0x1c: {  	v3 =	vand.u32 $0x7, v3;
	v4 =	vand.u32 $0xFFFFFFC0, v4  }
0x1d: {  	v3 =	vor.u32 v3, v4  }
0x1e: {  	v4 =	vperm.xlane v3, v0;
	_ =	sdelay $0x1  }
0x1f: {  	v4 =	vadd.s32 v1, v4;
	_ =	sdelay $0x4  }
0x20: {  	[hbm4b:s3+s2] =	stream.indirect_vreg.scatter [tilespmem:s11], [sflag:$0x1], $0x80, v4, vm0, $0xb8;
	[tilespmem:$0x8080] =	vst v63  }
0x21: {  	v3 =	vperm.xlane v3, v2  }
0x22: {  	[hbm4b:s6+s2] =	stream.indirect_vreg.scatter [tilespmem:s12], [sflag:$0x1], $0x80, v4, vm0, $0xb8;
	[tilespmem:$0x8080] =	vst v63  }
0x23: {  	v3 =	vadd.s32 v1, v3  }
0x24: {  	[hbm4b:s7+s2] =	stream.indirect_vreg.scatter [tilespmem:s13], [sflag:$0x1], $0x80, v4, vm0, $0xb8;
	[tilespmem:$0x8080] =	vst v63  }
0x25: {  	_ = 	snop  }
0x26: {  	[hbm4b:s8+s2] =	stream.indirect_vreg.scatter [tilespmem:s14], [sflag:$0x1], $0x80, v4, vm0, $0xb8;
	[tilespmem:$0x8080] =	vst v63  }
0x27: {  	_ = 	snop  }
0x28: {  	[hbm4b:s3+s2] =	stream.indirect_vreg.scatter [tilespmem:s15], [sflag:$0x1], $0x80, v3, vm0, $0xb8;
	[tilespmem:$0x8080] =	vst v63  }
0x29: {  	_ = 	snop  }
0x2a: {  	[hbm4b:s6+s2] =	stream.indirect_vreg.scatter [tilespmem:s16], [sflag:$0x1], $0x80, v3, vm0, $0xb8;
	[tilespmem:$0x8080] =	vst v63  }
0x2b: {  	_ = 	snop  }
0x2c: {  	[hbm4b:s7+s2] =	stream.indirect_vreg.scatter [tilespmem:s17], [sflag:$0x1], $0x80, v3, vm0, $0xb8;
	[tilespmem:$0x8080] =	vst v63  }
0x2d: {  	_ = 	snop  }
0x2e: {  	[hbm4b:s8+s2] =	stream.indirect_vreg.scatter [tilespmem:s18], [sflag:$0x1], $0x80, v3, vm0, $0xb8;
	[tilespmem:$0x8080] =	vst v63  }
0x2f: {  	v3 =	vld [tilespmem:$0x10];
	_ =	sdelay $0x4  }
0x30: {  	v63 =	vshll.u32 v3, $0x3  }
0x31: {  	v3 =	vand.u32 $0x7, v3;
	v4 =	vand.u32 $0xFFFFFFC0, v63  }
0x32: {  	v3 =	vor.u32 v3, v4  }
0x33: {  	v4 =	vperm.xlane v3, v0;
	_ =	sdelay $0x1  }
0x34: {  	v4 =	vadd.s32 v1, v4;
	_ =	sdelay $0x4  }
0x35: {  	[hbm4b:s3+s2] =	stream.indirect_vreg.scatter [tilespmem:s19], [sflag:$0x1], $0x80, v4, vm0, $0xb8;
	[tilespmem:$0x8080] =	vst v63  }
0x36: {  	v3 =	vperm.xlane v3, v2  }
0x37: {  	[hbm4b:s6+s2] =	stream.indirect_vreg.scatter [tilespmem:s20], [sflag:$0x1], $0x80, v4, vm0, $0xb8;
	[tilespmem:$0x8080] =	vst v63  }
0x38: {  	v3 =	vadd.s32 v1, v3  }
0x39: {  	[hbm4b:s7+s2] =	stream.indirect_vreg.scatter [tilespmem:s21], [sflag:$0x1], $0x80, v4, vm0, $0xb8;
	[tilespmem:$0x8080] =	vst v63  }
0x3a: {  	_ = 	snop  }
0x3b: {  	[hbm4b:s8+s2] =	stream.indirect_vreg.scatter [tilespmem:s22], [sflag:$0x1], $0x80, v4, vm0, $0xb8;
	[tilespmem:$0x8080] =	vst v63  }
0x3c: {  	_ = 	snop  }
0x3d: {  	[hbm4b:s3+s2] =	stream.indirect_vreg.scatter [tilespmem:s23], [sflag:$0x1], $0x80, v3, vm0, $0xb8;
	[tilespmem:$0x8080] =	vst v63  }
0x3e: {  	_ = 	snop  }
0x3f: {  	[hbm4b:s6+s2] =	stream.indirect_vreg.scatter [tilespmem:s24], [sflag:$0x1], $0x80, v3, vm0, $0xb8;
	[tilespmem:$0x8080] =	vst v63  }
0x40: {  	p0 =	sne.s32 s9, $0x1  }
0x41: {  	[hbm4b:s7+s2] =	stream.indirect_vreg.scatter [tilespmem:s25], [sflag:$0x1], $0x80, v3, vm0, $0xb8;
	[tilespmem:$0x8080] =	vst v63  }
.Ltmp0:
0x42: {  	_ = 	snop;
	(pc) =	sbr.rel @p0 .LBB2_1-.Ltmp0, $4  }
0x43: {  	[hbm4b:s8+s2] =	stream.indirect_vreg.scatter [tilespmem:s26], [sflag:$0x1], $0x80, v3, vm0, $0xb8;
	[tilespmem:$0x8080] =	vst v63  }
0x44: {  	_ =	swait.ge [sflag:s28], $0x8000  }
0x45: {  	[sflag:s28] =	ssyncset.done $0x0  }
0x46: {  	s9 =	sadd.s32 $0xFFFFFFFF, s9;
	[sflag:s28] =	ssyncadd.s32 $0xFFFF8000  }
0x47: {  	_ =	sfence.sel $0x180000  }
0x48: {  	[bflag:$0x0] =	sbarrier.arrive $0xFFFF  }
0x49: {  	p0 =	sne.s32 s1, $0x0;
	_ =	strace $0x90000047  }
0x4a: {  	s0 =	sadd.s32 @!p0 $0x100000, s0;
	[bflag:$0x2] =	sbarrier.arrive $0xFFFF  }
0x4b: {  	[sflag:s0] =	ssyncadd.tile.s32 @!p0 $0x1;
	_ =	shalt  }
.Lfunc_end2:
_tile_overlayer_lowered:
.L_overlay_start_2:
0x4c: {  	(tag) =	ssettag $0x2  }
0x4d: {  	s0 =	rddreg [dreg:$0x0];
	s2 =	stileid.u32  }
0x4e: {  	s1 =	rddreg [dreg:$0x1];
	p0 =	sne.s32 s2, $0x0  }
0x4f: {  	s3 =	rddreg [dreg:$0x2];
	[bflag:$0x3] =	sbarrier.arrive $0xFFFF;
	s2 =	simm.s32 @!p0 $0x1C02  }
0x50: {  	[timem:s3], [sflag:s2] =	dma.local @!p0 [hbm:s0], s1  }
0x51: {  	s0 =	simm.s32 @!p0 $0x2  }
0x52: {  	_ =	swait.ge @!p0 [sflag:s0], s1  }
0x53: {  	s1 =	ssub.s32 @!p0 $0x0, s1;
	[sflag:s0] =	ssyncset.done @!p0 $0x0  }
0x54: {  	[sflag:s0] =	ssyncadd.s32 @!p0 s1  }
0x55: {  	[bflag:$0x3] =	sbarrier.arrive $0xFFFF  }
0x56: {  	_ =	shalt  }

</sc_bundles>
